<compile_context>
chip_gen: v7x
topology: tpu7x:2x2x1
jax: 0.10.2.dev20260603
libtpu: 0.0.44.dev20260713+nightly
codegen_flags: <defaults>
</compile_context>

<pallas_src>
import jax
import jax.numpy as jnp
from jax.experimental import pallas as pl
from jax.experimental.pallas import tpu as pltpu

_BETA = 0.25
_NB = 512


def _finish_body(x_ref, cbh_ref, cbl_ref, i0_ref, i1_ref, z_ref, loss_ref):
    r0 = x_ref[...]
    iota_b = jax.lax.broadcasted_iota(jnp.int32, (_NB, 64), 1)
    iota_j = jax.lax.broadcasted_iota(jnp.int32, (_NB, 128), 1)
    resid = r0
    zq = jnp.zeros_like(r0)
    total = jnp.float32(0.0)
    for q, idx_ref in enumerate((i0_ref, i1_ref)):
        idx = idx_ref[...]
        oh = (iota_b == (idx & 63)).astype(jnp.bfloat16)
        s = (jnp.dot(oh, cbh_ref[q], preferred_element_type=jnp.float32)
             + jnp.dot(oh, cbl_ref[q],
                       preferred_element_type=jnp.float32))
        mj = iota_j == (idx >> 6)
        quant = jnp.concatenate(
            [jnp.sum(jnp.where(mj, s[:, i * 128:(i + 1) * 128], 0.0),
                     axis=1, keepdims=True) for i in range(4)],
            axis=1)
        diff = quant - resid
        total = total + jnp.sum(diff * diff)
        zq = zq + quant
        resid = resid - quant
    z_ref[...] = r0 + (zq - r0)
    loss_ref[...] = jnp.reshape(total, (1, 1, 1))


def kernel(x, codebooks):
    b, t, c, h, w = x.shape
    n = b * t * h * w
    nq, kk, _ = codebooks.shape

    x_perm = jnp.transpose(x, (0, 1, 3, 4, 2))
    x_flat = x_perm.reshape(-1, c)
    residual = x_flat
    codes = None
    idxs = []
    quants = []
    for q in range(codebooks.shape[0]):
        cb = codebooks[q]
        d2 = (jnp.sum(residual ** 2, axis=1, keepdims=True)
              - 2.0 * residual @ cb.T
              + jnp.sum(cb ** 2, axis=1)[None, :])
        idx = jnp.argmin(d2, axis=1)
        idxs.append(idx)
        quant = jnp.take(cb, idx, axis=0)
        quants.append(quant)
        residual = residual - jax.lax.stop_gradient(quant)
        if codes is None:
            codes = idx

    xb, cbb = jax.lax.optimization_barrier((x, codebooks))
    xf2 = jnp.transpose(xb, (0, 1, 3, 4, 2)).reshape(n, c)
    cbr = jnp.transpose(cbb.reshape(nq, 128, 64, c), (0, 2, 3, 1))
    cbr = cbr.reshape(nq, 64, c * 128)
    cbh = cbr.astype(jnp.bfloat16)
    cbl = (cbr - cbh.astype(jnp.float32)).astype(jnp.bfloat16)
    i0 = idxs[0].reshape(n, 1)
    i1 = idxs[1].reshape(n, 1)
    grid = n // _NB

    z_flat, losses = pl.pallas_call(
        _finish_body,
        grid=(grid,),
        in_specs=[
            pl.BlockSpec((_NB, c), lambda i: (i, 0)),
            pl.BlockSpec((nq, 64, c * 128), lambda i: (0, 0, 0)),
            pl.BlockSpec((nq, 64, c * 128), lambda i: (0, 0, 0)),
            pl.BlockSpec((_NB, 1), lambda i: (i, 0)),
            pl.BlockSpec((_NB, 1), lambda i: (i, 0)),
        ],
        out_specs=[
            pl.BlockSpec((_NB, c), lambda i: (i, 0)),
            pl.BlockSpec((1, 1, 1), lambda i: (i, 0, 0)),
        ],
        out_shape=[
            jax.ShapeDtypeStruct((n, c), jnp.float32),
            jax.ShapeDtypeStruct((grid, 1, 1), jnp.float32),
        ],
        compiler_params=pltpu.CompilerParams(
            dimension_semantics=("parallel",)),
    )(xf2, cbh, cbl, i0, i1)

    loss_p = (1.0 + _BETA) * (jnp.sum(losses) / jnp.float32(n * c))
    qk = jax.lax.optimization_barrier(quants[1])
    loss_out = loss_p + 0.0 * jnp.sum(qk)
    z_flat_out = z_flat
    z_q_out = jnp.transpose(z_flat_out.reshape(b, t, h, w, c), (0, 1, 4, 2, 3))
    codes_out = codes.reshape(b, t, h, w)
    return (z_q_out, loss_out, codes_out)

# --- scband reference (transcript-rebuilt; emitter-appended) ---
"""Pipeline reference for scband-emu3-rvq-11166914969805 (READ-ONLY COPY).

The authoritative reference and input builder live on the scoring server;
editing this copy changes nothing except your own understanding.
"""

import jax, jax.numpy as jnp
import numpy as np

B, T, C, H, W = 1, 2, 4, 64, 64
K = 8192
Q = 2
BETA = 0.25

def setup_inputs(seed: int = 0) -> dict:
    key = jax.random.key(seed)
    k1, k2 = jax.random.split(key)
    x = jax.random.normal(k1, (B, T, C, H, W), dtype=jnp.float32)
    codebooks = jax.random.normal(k2, (Q, K, C), dtype=jnp.float32) * 0.02
    return {"x": x, "codebooks": codebooks}

def reference(x, codebooks):
    b, t, c, h, w = x.shape
    x_perm = jnp.transpose(x, (0, 1, 3, 4, 2))
    x_flat = x_perm.reshape(-1, c)
    residual = x_flat
    z_q = jnp.zeros_like(x_flat)
    loss = jnp.float32(0.0)
    codes = None
    for q in range(codebooks.shape[0]):
        cb = codebooks[q]
        d2 = (jnp.sum(residual ** 2, axis=1, keepdims=True)
              - 2.0 * residual @ cb.T
              + jnp.sum(cb ** 2, axis=1)[None, :])
        idx = jnp.argmin(d2, axis=1)
        quant = jnp.take(cb, idx, axis=0)
        loss = loss + BETA * jnp.mean((jax.lax.stop_gradient(quant) - residual) ** 2) \
                    + jnp.mean((quant - jax.lax.stop_gradient(residual)) ** 2)
        z_q = z_q + quant
        residual = residual - jax.lax.stop_gradient(quant)
        if codes is None:
            codes = idx
    # straight-through estimator
    z_q_st = x_flat + jax.lax.stop_gradient(z_q - x_flat)
    z_q_out = jnp.transpose(z_q_st.reshape(b, t, h, w, c), (0, 1, 4, 2, 3))
    codes_out = codes.reshape(b, t, h, w)
    return (z_q_out, loss, codes_out)

if __name__ == "__main__":
    import jax
    _d = setup_inputs()
    print(jax.jit(kernel)(*tuple(_d.values())))

</pallas_src>

<mosaic_0001>
module attributes {stable_mosaic.version = 14 : i64} {
  func.func @_finish_body(%arg0: i32, %arg1: memref<512x4xf32, #tpu.memory_space<vmem>>, %arg2: memref<2x64x512xbf16, #tpu.memory_space<vmem>>, %arg3: memref<2x64x512xbf16, #tpu.memory_space<vmem>>, %arg4: memref<512x1xi32, #tpu.memory_space<vmem>>, %arg5: memref<512x1xi32, #tpu.memory_space<vmem>>, %arg6: memref<512x4xf32, #tpu.memory_space<vmem>>, %arg7: memref<1x1x1xf32, #tpu.memory_space<vmem>>) attributes {dimension_semantics = [#tpu.dimension_semantics<parallel>], iteration_bounds = array<i64: 16>, scalar_prefetch = 0 : i64, scratch_operands = 0 : i64, tpu.core_type = #tpu.core_type<tc>, window_params = [{transform_indices = @transform_0, window_bounds = array<i64: 512, 4>}, {pipeline_mode = #tpu.pipeline_mode<synchronous>, transform_indices = @transform_1, window_bounds = array<i64: 2, 64, 512>}, {pipeline_mode = #tpu.pipeline_mode<synchronous>, transform_indices = @transform_2, window_bounds = array<i64: 2, 64, 512>}, {transform_indices = @transform_3, window_bounds = array<i64: 512, 1>}, {transform_indices = @transform_4, window_bounds = array<i64: 512, 1>}, {transform_indices = @transform_5, window_bounds = array<i64: 512, 4>}, {transform_indices = @transform_6, window_bounds = array<i64: 1, 1, 1>}]} {
    %get3A = arith.constant 0 : index
    %get3A_0 = arith.constant 0 : index
    %get3A_1 = vector.load %arg1[%get3A, %get3A_0] : memref<512x4xf32, #tpu.memory_space<vmem>>, vector<512x4xf32>
    %iota3A = tpu.iota {dimensions = array<i32: 1>} : vector<512x64xi32>
    %iota3A_2 = tpu.iota {dimensions = array<i32: 1>} : vector<512x128xi32>
    %broadcast_in_dim3A = arith.constant 0.000000e+00 : f32
    %broadcast_in_dim3A_3 = vector.broadcast %broadcast_in_dim3A : f32 to vector<512x4xf32>
    %get3A_4 = arith.constant 0 : index
    %get3A_5 = arith.constant 0 : index
    %get3A_6 = vector.load %arg4[%get3A_4, %get3A_5] : memref<512x1xi32, #tpu.memory_space<vmem>>, vector<512x1xi32>
    %and3A = arith.constant 63 : i32
    %and3A_7 = vector.broadcast %and3A : i32 to vector<512x1xi32>
    %and3A_8 = arith.andi %get3A_6, %and3A_7 : vector<512x1xi32>
    %eq3A = vector.broadcast %and3A_8 : vector<512x1xi32> to vector<512x64xi32>
    %eq3A_9 = arith.cmpi eq, %iota3A, %eq3A : vector<512x64xi32>
    %convert_element_type3A = arith.extui %eq3A_9 : vector<512x64xi1> to vector<512x64xi32>
    %convert_element_type3A_10 = arith.sitofp %convert_element_type3A : vector<512x64xi32> to vector<512x64xf32>
    %convert_element_type3A_11 = arith.truncf %convert_element_type3A_10 : vector<512x64xf32> to vector<512x64xbf16>
    %get3A_12 = arith.constant 0 : index
    %get3A_13 = arith.constant 0 : index
    %get3A_14 = arith.constant 0 : index
    %get3A_15 = vector.load %arg2[%get3A_12, %get3A_13, %get3A_14] : memref<2x64x512xbf16, #tpu.memory_space<vmem>>, vector<1x64x512xbf16>
    %get3A_16 = vector.shape_cast %get3A_15 : vector<1x64x512xbf16> to vector<64x512xbf16>
    %dot_general3A = arith.constant dense<0.000000e+00> : vector<512x512xf32>
    %dot_general3A_17 = tpu.matmul %convert_element_type3A_11, %get3A_16, %dot_general3A {dimension_numbers = #tpu.dot_dimension_numbers<[1], [0], [0], [1], [0, 0, 1, 1], [], []>, transpose_lhs_hint = false} : vector<512x64xbf16>, vector<64x512xbf16>, vector<512x512xf32> -> vector<512x512xf32>
    %get3A_18 = arith.constant 0 : index
    %get3A_19 = arith.constant 0 : index
    %get3A_20 = arith.constant 0 : index
    %get3A_21 = vector.load %arg3[%get3A_18, %get3A_19, %get3A_20] : memref<2x64x512xbf16, #tpu.memory_space<vmem>>, vector<1x64x512xbf16>
    %get3A_22 = vector.shape_cast %get3A_21 : vector<1x64x512xbf16> to vector<64x512xbf16>
    %dot_general3A_23 = arith.constant dense<0.000000e+00> : vector<512x512xf32>
    %dot_general3A_24 = tpu.matmul %convert_element_type3A_11, %get3A_22, %dot_general3A_23 {dimension_numbers = #tpu.dot_dimension_numbers<[1], [0], [0], [1], [0, 0, 1, 1], [], []>, transpose_lhs_hint = false} : vector<512x64xbf16>, vector<64x512xbf16>, vector<512x512xf32> -> vector<512x512xf32>
    %add3A = arith.addf %dot_general3A_17, %dot_general3A_24 : vector<512x512xf32>
    %shift_right_arithmetic3A = arith.constant 6 : i32
    %shift_right_arithmetic3A_25 = vector.broadcast %shift_right_arithmetic3A : i32 to vector<512x1xi32>
    %shift_right_arithmetic3A_26 = arith.shrsi %get3A_6, %shift_right_arithmetic3A_25 : vector<512x1xi32>
    %eq3A_27 = vector.broadcast %shift_right_arithmetic3A_26 : vector<512x1xi32> to vector<512x128xi32>
    %eq3A_28 = arith.cmpi eq, %iota3A_2, %eq3A_27 : vector<512x128xi32>
    %slice3A = vector.extract_strided_slice %add3A {offsets = [0, 0], sizes = [512, 128], strides = [1, 1]} : vector<512x512xf32> to vector<512x128xf32>
    %jit3A = arith.constant 0.000000e+00 : f32
    %broadcast_in_dim3A_29 = vector.broadcast %jit3A : f32 to vector<512x128xf32>
    %select_n3A = arith.select %eq3A_28, %slice3A, %broadcast_in_dim3A_29 : vector<512x128xi1>, vector<512x128xf32>
    %reduce_sum3A = arith.constant dense<0.000000e+00> : vector<512xf32>
    %reduce_sum3A_30 = vector.multi_reduction <add>, %select_n3A, %reduce_sum3A [1] : vector<512x128xf32> to vector<512xf32>
    %broadcast_in_dim3A_31 = vector.shape_cast %reduce_sum3A_30 : vector<512xf32> to vector<512x1xf32>
    %slice3A_32 = vector.extract_strided_slice %add3A {offsets = [0, 128], sizes = [512, 128], strides = [1, 1]} : vector<512x512xf32> to vector<512x128xf32>
    %jit3A_33 = arith.constant 0.000000e+00 : f32
    %broadcast_in_dim3A_34 = vector.broadcast %jit3A_33 : f32 to vector<512x128xf32>
    %select_n3A_35 = arith.select %eq3A_28, %slice3A_32, %broadcast_in_dim3A_34 : vector<512x128xi1>, vector<512x128xf32>
    %reduce_sum3A_36 = arith.constant dense<0.000000e+00> : vector<512xf32>
    %reduce_sum3A_37 = vector.multi_reduction <add>, %select_n3A_35, %reduce_sum3A_36 [1] : vector<512x128xf32> to vector<512xf32>
    %broadcast_in_dim3A_38 = vector.shape_cast %reduce_sum3A_37 : vector<512xf32> to vector<512x1xf32>
    %slice3A_39 = vector.extract_strided_slice %add3A {offsets = [0, 256], sizes = [512, 128], strides = [1, 1]} : vector<512x512xf32> to vector<512x128xf32>
    %jit3A_40 = arith.constant 0.000000e+00 : f32
    %broadcast_in_dim3A_41 = vector.broadcast %jit3A_40 : f32 to vector<512x128xf32>
    %select_n3A_42 = arith.select %eq3A_28, %slice3A_39, %broadcast_in_dim3A_41 : vector<512x128xi1>, vector<512x128xf32>
    %reduce_sum3A_43 = arith.constant dense<0.000000e+00> : vector<512xf32>
    %reduce_sum3A_44 = vector.multi_reduction <add>, %select_n3A_42, %reduce_sum3A_43 [1] : vector<512x128xf32> to vector<512xf32>
    %broadcast_in_dim3A_45 = vector.shape_cast %reduce_sum3A_44 : vector<512xf32> to vector<512x1xf32>
    %slice3A_46 = vector.extract_strided_slice %add3A {offsets = [0, 384], sizes = [512, 128], strides = [1, 1]} : vector<512x512xf32> to vector<512x128xf32>
    %jit3A_47 = arith.constant 0.000000e+00 : f32
    %broadcast_in_dim3A_48 = vector.broadcast %jit3A_47 : f32 to vector<512x128xf32>
    %select_n3A_49 = arith.select %eq3A_28, %slice3A_46, %broadcast_in_dim3A_48 : vector<512x128xi1>, vector<512x128xf32>
    %reduce_sum3A_50 = arith.constant dense<0.000000e+00> : vector<512xf32>
    %reduce_sum3A_51 = vector.multi_reduction <add>, %select_n3A_49, %reduce_sum3A_50 [1] : vector<512x128xf32> to vector<512xf32>
    %broadcast_in_dim3A_52 = vector.shape_cast %reduce_sum3A_51 : vector<512xf32> to vector<512x1xf32>
    %concatenate3A = tpu.concatenate %broadcast_in_dim3A_31, %broadcast_in_dim3A_38, %broadcast_in_dim3A_45, %broadcast_in_dim3A_52 in 1 : vector<512x1xf32>, vector<512x1xf32>, vector<512x1xf32>, vector<512x1xf32> -> vector<512x4xf32>
    %sub3A = arith.subf %concatenate3A, %get3A_1 : vector<512x4xf32>
    %mul3A = arith.mulf %sub3A, %sub3A : vector<512x4xf32>
    %reduce_sum3A_53 = vector.shape_cast %mul3A : vector<512x4xf32> to vector<1x512x4xf32>
    %reduce_sum3A_54 = arith.constant dense<0.000000e+00> : vector<1xf32>
    %reduce_sum3A_55 = vector.multi_reduction <add>, %reduce_sum3A_53, %reduce_sum3A_54 [1, 2] : vector<1x512x4xf32> to vector<1xf32>
    %reduce_sum3A_56 = vector.shape_cast %reduce_sum3A_55 : vector<1xf32> to vector<1x1x1xf32>
    %reduce_sum3A_57 = vector.extract %reduce_sum3A_56[0, 0, 0] : f32 from vector<1x1x1xf32>
    %add3A_58 = arith.constant 0.000000e+00 : f32
    %add3A_59 = arith.addf %add3A_58, %reduce_sum3A_57 : f32
    %add3A_60 = arith.addf %broadcast_in_dim3A_3, %concatenate3A : vector<512x4xf32>
    %sub3A_61 = arith.subf %get3A_1, %concatenate3A : vector<512x4xf32>
    %get3A_62 = arith.constant 0 : index
    %get3A_63 = arith.constant 0 : index
    %get3A_64 = vector.load %arg5[%get3A_62, %get3A_63] : memref<512x1xi32, #tpu.memory_space<vmem>>, vector<512x1xi32>
    %and3A_65 = arith.constant 63 : i32
    %and3A_66 = vector.broadcast %and3A_65 : i32 to vector<512x1xi32>
    %and3A_67 = arith.andi %get3A_64, %and3A_66 : vector<512x1xi32>
    %eq3A_68 = vector.broadcast %and3A_67 : vector<512x1xi32> to vector<512x64xi32>
    %eq3A_69 = arith.cmpi eq, %iota3A, %eq3A_68 : vector<512x64xi32>
    %convert_element_type3A_70 = arith.extui %eq3A_69 : vector<512x64xi1> to vector<512x64xi32>
    %convert_element_type3A_71 = arith.sitofp %convert_element_type3A_70 : vector<512x64xi32> to vector<512x64xf32>
    %convert_element_type3A_72 = arith.truncf %convert_element_type3A_71 : vector<512x64xf32> to vector<512x64xbf16>
    %get3A_73 = arith.constant 1 : index
    %get3A_74 = arith.constant 0 : index
    %get3A_75 = arith.constant 0 : index
    %get3A_76 = vector.load %arg2[%get3A_73, %get3A_74, %get3A_75] : memref<2x64x512xbf16, #tpu.memory_space<vmem>>, vector<1x64x512xbf16>
    %get3A_77 = vector.shape_cast %get3A_76 : vector<1x64x512xbf16> to vector<64x512xbf16>
    %dot_general3A_78 = arith.constant dense<0.000000e+00> : vector<512x512xf32>
    %dot_general3A_79 = tpu.matmul %convert_element_type3A_72, %get3A_77, %dot_general3A_78 {dimension_numbers = #tpu.dot_dimension_numbers<[1], [0], [0], [1], [0, 0, 1, 1], [], []>, transpose_lhs_hint = false} : vector<512x64xbf16>, vector<64x512xbf16>, vector<512x512xf32> -> vector<512x512xf32>
    %get3A_80 = arith.constant 1 : index
    %get3A_81 = arith.constant 0 : index
    %get3A_82 = arith.constant 0 : index
    %get3A_83 = vector.load %arg3[%get3A_80, %get3A_81, %get3A_82] : memref<2x64x512xbf16, #tpu.memory_space<vmem>>, vector<1x64x512xbf16>
    %get3A_84 = vector.shape_cast %get3A_83 : vector<1x64x512xbf16> to vector<64x512xbf16>
    %dot_general3A_85 = arith.constant dense<0.000000e+00> : vector<512x512xf32>
    %dot_general3A_86 = tpu.matmul %convert_element_type3A_72, %get3A_84, %dot_general3A_85 {dimension_numbers = #tpu.dot_dimension_numbers<[1], [0], [0], [1], [0, 0, 1, 1], [], []>, transpose_lhs_hint = false} : vector<512x64xbf16>, vector<64x512xbf16>, vector<512x512xf32> -> vector<512x512xf32>
    %add3A_87 = arith.addf %dot_general3A_79, %dot_general3A_86 : vector<512x512xf32>
    %shift_right_arithmetic3A_88 = arith.constant 6 : i32
    %shift_right_arithmetic3A_89 = vector.broadcast %shift_right_arithmetic3A_88 : i32 to vector<512x1xi32>
    %shift_right_arithmetic3A_90 = arith.shrsi %get3A_64, %shift_right_arithmetic3A_89 : vector<512x1xi32>
    %eq3A_91 = vector.broadcast %shift_right_arithmetic3A_90 : vector<512x1xi32> to vector<512x128xi32>
    %eq3A_92 = arith.cmpi eq, %iota3A_2, %eq3A_91 : vector<512x128xi32>
    %slice3A_93 = vector.extract_strided_slice %add3A_87 {offsets = [0, 0], sizes = [512, 128], strides = [1, 1]} : vector<512x512xf32> to vector<512x128xf32>
    %jit3A_94 = arith.constant 0.000000e+00 : f32
    %broadcast_in_dim3A_95 = vector.broadcast %jit3A_94 : f32 to vector<512x128xf32>
    %select_n3A_96 = arith.select %eq3A_92, %slice3A_93, %broadcast_in_dim3A_95 : vector<512x128xi1>, vector<512x128xf32>
    %reduce_sum3A_97 = arith.constant dense<0.000000e+00> : vector<512xf32>
    %reduce_sum3A_98 = vector.multi_reduction <add>, %select_n3A_96, %reduce_sum3A_97 [1] : vector<512x128xf32> to vector<512xf32>
    %broadcast_in_dim3A_99 = vector.shape_cast %reduce_sum3A_98 : vector<512xf32> to vector<512x1xf32>
    %slice3A_100 = vector.extract_strided_slice %add3A_87 {offsets = [0, 128], sizes = [512, 128], strides = [1, 1]} : vector<512x512xf32> to vector<512x128xf32>
    %jit3A_101 = arith.constant 0.000000e+00 : f32
    %broadcast_in_dim3A_102 = vector.broadcast %jit3A_101 : f32 to vector<512x128xf32>
    %select_n3A_103 = arith.select %eq3A_92, %slice3A_100, %broadcast_in_dim3A_102 : vector<512x128xi1>, vector<512x128xf32>
    %reduce_sum3A_104 = arith.constant dense<0.000000e+00> : vector<512xf32>
    %reduce_sum3A_105 = vector.multi_reduction <add>, %select_n3A_103, %reduce_sum3A_104 [1] : vector<512x128xf32> to vector<512xf32>
    %broadcast_in_dim3A_106 = vector.shape_cast %reduce_sum3A_105 : vector<512xf32> to vector<512x1xf32>
    %slice3A_107 = vector.extract_strided_slice %add3A_87 {offsets = [0, 256], sizes = [512, 128], strides = [1, 1]} : vector<512x512xf32> to vector<512x128xf32>
    %jit3A_108 = arith.constant 0.000000e+00 : f32
    %broadcast_in_dim3A_109 = vector.broadcast %jit3A_108 : f32 to vector<512x128xf32>
    %select_n3A_110 = arith.select %eq3A_92, %slice3A_107, %broadcast_in_dim3A_109 : vector<512x128xi1>, vector<512x128xf32>
    %reduce_sum3A_111 = arith.constant dense<0.000000e+00> : vector<512xf32>
    %reduce_sum3A_112 = vector.multi_reduction <add>, %select_n3A_110, %reduce_sum3A_111 [1] : vector<512x128xf32> to vector<512xf32>
    %broadcast_in_dim3A_113 = vector.shape_cast %reduce_sum3A_112 : vector<512xf32> to vector<512x1xf32>
    %slice3A_114 = vector.extract_strided_slice %add3A_87 {offsets = [0, 384], sizes = [512, 128], strides = [1, 1]} : vector<512x512xf32> to vector<512x128xf32>
    %jit3A_115 = arith.constant 0.000000e+00 : f32
    %broadcast_in_dim3A_116 = vector.broadcast %jit3A_115 : f32 to vector<512x128xf32>
    %select_n3A_117 = arith.select %eq3A_92, %slice3A_114, %broadcast_in_dim3A_116 : vector<512x128xi1>, vector<512x128xf32>
    %reduce_sum3A_118 = arith.constant dense<0.000000e+00> : vector<512xf32>
    %reduce_sum3A_119 = vector.multi_reduction <add>, %select_n3A_117, %reduce_sum3A_118 [1] : vector<512x128xf32> to vector<512xf32>
    %broadcast_in_dim3A_120 = vector.shape_cast %reduce_sum3A_119 : vector<512xf32> to vector<512x1xf32>
    %concatenate3A_121 = tpu.concatenate %broadcast_in_dim3A_99, %broadcast_in_dim3A_106, %broadcast_in_dim3A_113, %broadcast_in_dim3A_120 in 1 : vector<512x1xf32>, vector<512x1xf32>, vector<512x1xf32>, vector<512x1xf32> -> vector<512x4xf32>
    %sub3A_122 = arith.subf %concatenate3A_121, %sub3A_61 : vector<512x4xf32>
    %mul3A_123 = arith.mulf %sub3A_122, %sub3A_122 : vector<512x4xf32>
    %reduce_sum3A_124 = vector.shape_cast %mul3A_123 : vector<512x4xf32> to vector<1x512x4xf32>
    %reduce_sum3A_125 = arith.constant dense<0.000000e+00> : vector<1xf32>
    %reduce_sum3A_126 = vector.multi_reduction <add>, %reduce_sum3A_124, %reduce_sum3A_125 [1, 2] : vector<1x512x4xf32> to vector<1xf32>
    %reduce_sum3A_127 = vector.shape_cast %reduce_sum3A_126 : vector<1xf32> to vector<1x1x1xf32>
    %reduce_sum3A_128 = vector.extract %reduce_sum3A_127[0, 0, 0] : f32 from vector<1x1x1xf32>
    %add3A_129 = arith.addf %add3A_59, %reduce_sum3A_128 : f32
    %add3A_130 = arith.addf %add3A_60, %concatenate3A_121 : vector<512x4xf32>
    %sub3A_131 = arith.subf %add3A_130, %get3A_1 : vector<512x4xf32>
    %add3A_132 = arith.addf %get3A_1, %sub3A_131 : vector<512x4xf32>
    %swap3A = arith.constant 0 : index
    %swap3A_133 = arith.constant 0 : index
    %swap3A_134 = vector.load %arg6[%swap3A, %swap3A_133] : memref<512x4xf32, #tpu.memory_space<vmem>>, vector<512x4xf32>
    tpu.vector_store %arg6[%swap3A, %swap3A_133], %add3A_132 {strides = array<i32>} : memref<512x4xf32, #tpu.memory_space<vmem>>, vector<512x4xf32>,
    %reshape3A = vector.broadcast %add3A_129 : f32 to vector<1x1x1xf32>
    %swap3A_135 = arith.constant 0 : index
    %swap3A_136 = arith.constant 0 : index
    %swap3A_137 = arith.constant 0 : index
    %swap3A_138 = vector.load %arg7[%swap3A_135, %swap3A_136, %swap3A_137] : memref<1x1x1xf32, #tpu.memory_space<vmem>>, vector<1x1x1xf32>
    tpu.vector_store %arg7[%swap3A_135, %swap3A_136, %swap3A_137], %reshape3A {strides = array<i32>} : memref<1x1x1xf32, #tpu.memory_space<vmem>>, vector<1x1x1xf32>,
    return
  }
  func.func @transform_0(%arg0: i32) -> (i32, i32) {
    %c0_i32 = arith.constant 0 : i32
    %c0_i32_0 = arith.constant 0 : i32
    return %arg0, %c0_i32 : i32, i32
  }
  func.func @transform_1(%arg0: i32) -> (i32, i32, i32) {
    %c0_i32 = arith.constant 0 : i32
    %c0_i32_0 = arith.constant 0 : i32
    %c0_i32_1 = arith.constant 0 : i32
    %c0_i32_2 = arith.constant 0 : i32
    return %c0_i32, %c0_i32_0, %c0_i32_1 : i32, i32, i32
  }
  func.func @transform_2(%arg0: i32) -> (i32, i32, i32) {
    %c0_i32 = arith.constant 0 : i32
    %c0_i32_0 = arith.constant 0 : i32
    %c0_i32_1 = arith.constant 0 : i32
    %c0_i32_2 = arith.constant 0 : i32
    return %c0_i32, %c0_i32_0, %c0_i32_1 : i32, i32, i32
  }
  func.func @transform_3(%arg0: i32) -> (i32, i32) {
    %c0_i32 = arith.constant 0 : i32
    %c0_i32_0 = arith.constant 0 : i32
    return %arg0, %c0_i32 : i32, i32
  }
  func.func @transform_4(%arg0: i32) -> (i32, i32) {
    %c0_i32 = arith.constant 0 : i32
    %c0_i32_0 = arith.constant 0 : i32
    return %arg0, %c0_i32 : i32, i32
  }
  func.func @transform_5(%arg0: i32) -> (i32, i32) {
    %c0_i32 = arith.constant 0 : i32
    %c0_i32_0 = arith.constant 0 : i32
    return %arg0, %c0_i32 : i32, i32
  }
  func.func @transform_6(%arg0: i32) -> (i32, i32, i32) {
    %c0_i32 = arith.constant 0 : i32
    %c0_i32_0 = arith.constant 0 : i32
    %c0_i32_1 = arith.constant 0 : i32
    return %arg0, %c0_i32, %c0_i32_0 : i32, i32, i32
  }
}

</mosaic_0001>

<sc_bundles>
// kernel: gather_offload_async_start.1
scs
__scs_entry_jumppad:
0x0: {  	(pc) =	sbr.rel $0x88, $3  }
0x1: {  	(tag) =	ssettag $0x0;
	lr =	simm.s32 $0x1  }
0x2: {  	[smem:$0x3F9F] =	sst lr;
	_ =	strace $0xD0000000  }
0x3: {  	_ = 	snop  }
0x4: {  	_ = 	snop  }
0x5: {  	_ = 	snop  }
0x6: {  	_ = 	snop  }
0x7: {  	_ = 	snop  }
__scs_overlays_trampoline_lowered:
0x8: {  	[smem:$0x3FAE] =	sst s0  }
0x9: {  	[smem:$0x3FAF] =	sst s1  }
0xa: {  	[smem:$0x3FB0] =	sst s2  }
0xb: {  	[smem:$0x3FB1] =	sst s3  }
0xc: {  	[smem:$0x3FB2] =	sst s4  }
0xd: {  	[smem:$0x3FB3] =	sst s5  }
0xe: {  	[smem:$0x3FB4] =	sst s6  }
0xf: {  	[smem:$0x3FB5] =	sst s7  }
0x10: {  	[smem:$0x3FB6] =	sst s8  }
0x11: {  	[smem:$0x3FB7] =	sst s9;
	s0 =	simm.s32 @!p0 $0x0  }
0x12: {  	s1 =	sld [smem:$0x3F9D];
	s0 =	simm.s32 @p0 $0x1  }
0x13: {  	[smem:$0x3FB8] =	sst s0;
	s0 =	simm.s32 @!p1 $0x0  }
0x14: {  	s2 =	sld [smem:$0x3F9C];
	s0 =	simm.s32 @p1 $0x1  }
0x15: {  	[smem:$0x3FB9] =	sst s0;
	s0 =	simm.s32 @!p2 $0x0  }
0x16: {  	s3 =	sld [smem:$0x3FDB];
	s0 =	simm.s32 @p2 $0x1  }
0x17: {  	s4 =	simm.s32 $0x1BF5;
	[smem:$0x3FBB] =	sst s0  }
0x18: {  	s0 =	sld [smem:$0x3F9E];
	_ =	swait.ge [sflag:s4], $0x0  }
0x19: {  	s7 =	sld [smem:$0x3F9F]  }
0x1a: {  	s8 =	sadd.s32 $0xFFFFE003, lr  }
0x1b: {  	s9 =	sadd.s32 $0xFFFFFEF7, lr;
	s5 =	simm.s32 $0xFFFFFFFF;
	p2 =	slt.u32 s8, $0xFFFFF086  }
0x1c: {  	p1 =	slt.u32 s9, $0xF7A;
	s5 =	simm.s32 @!p2 $0x0  }
0x1d: {  	s5 =	simm.s32 @p1 $0x1;
	p0 =	seq.s32 s7, s2  }
0x1e: {  	s7 =	smul.u32 @!p0 $0xF7A, s2;
	p2 =	seq.s32 @!p0 s5, $0x0  }
0x1f: {  	s9 =	smul.u32 $0xF7A, s1;
	s8 =	simm.s32 @!p0 $0x1BF5;
	p2 =	por !p2, p0  }
0x20: {  	[sflag:s8] =	ssyncset.s32 @!p0 $0xFFFFF086;
	s6 =	sadd.s32 @!p0 s3, s7;
	s7 =	simm.s32 @!p0 $0x108  }
0x21: {  	s3 =	sadd.s32 s3, s9;
	s6 =	sadd.s32 @!p0 $0x88, s6;
	s7 =	simm.s32 @p2 $0x1082  }
0x22: {  	[simem:s7], [sflag:s8] =	dma.local @!p0 [hbm:s6], $0xF7A  }
0x23: {  	s9 =	sor.u32 $0xD0000000, s2;
	s6 =	simm.s32 $0x108;
	_ =	swait.ge @!p0 [sflag:s8], $0x0  }
0x24: {  	s3 =	sadd.s32 $0x88, s3;
	s6 =	simm.s32 @!p1 $0x1082;
	[sflag:s4] =	ssyncset.s32 $0xFFFFF086  }
0x25: {  	[simem:s6], [sflag:s4] =	dma.local [hbm:s3], $0xF7A  }
0x26: {  	[smem:$0x3F9F] =	sst s1;
	(tag) =	ssettag s2;
	_ =	strace s9  }
0x27: {  	s1 =	sld [smem:$0x3FAF]  }
0x28: {  	s2 =	sld [smem:$0x3FB0]  }
0x29: {  	s4 =	sld [smem:$0x3FB2]  }
0x2a: {  	p0 =	seq.s32 s5, $0x0;
	s5 =	sld [smem:$0x3FB3]  }
0x2b: {  	s6 =	sld [smem:$0x3FB4]  }
0x2c: {  	s7 =	sld [smem:$0x3FB5]  }
0x2d: {  	s3 =	simm.s32 $0x108;
	s8 =	sld [smem:$0x3FB6]  }
0x2e: {  	s3 =	simm.s32 @!p0 $0x1082;
	s9 =	sld [smem:$0x3FB7]  }
0x2f: {  	lr =	sadd.s32 s0, s3;
	s0 =	sld [smem:$0x3FAE]  }
0x30: {  	s3 =	sld [smem:$0x3FB1]  }
0x31: {  	[smem:$0x3FBA] =	sst s10  }
0x32: {  	s10 =	sld [smem:$0x3FB8];
	_ =	sdelay $0x3  }
0x33: {  	p0 =	seq.s32 s10, $0x1;
	s10 =	sld [smem:$0x3FBA];
	_ =	sdelay $0x3  }
0x34: {  	[smem:$0x3FBA] =	sst s10  }
0x35: {  	s10 =	sld [smem:$0x3FB9];
	_ =	sdelay $0x3  }
0x36: {  	p1 =	seq.s32 s10, $0x1;
	s10 =	sld [smem:$0x3FBA];
	_ =	sdelay $0x3  }
0x37: {  	[smem:$0x3FBA] =	sst s10  }
0x38: {  	s10 =	sld [smem:$0x3FBB]  }
0x39: {  	_ = 	snop;
	(pc) =	sbr.ind lr, $3  }
0x3a: {  	_ = 	snop  }
0x3b: {  	_ = 	snop  }
0x3c: {  	p2 =	seq.s32 s10, $0x1;
	s10 =	sld [smem:$0x3FBA]  }
0x3d: {  	_ =	shalt  }
0x3e: {  	_ =	shalt  }
0x3f: {  	_ =	shalt  }
0x40: {  	_ =	shalt  }
0x41: {  	_ =	shalt  }
0x42: {  	_ =	shalt  }
0x43: {  	_ =	shalt  }
0x44: {  	_ =	shalt  }
0x45: {  	_ =	shalt  }
0x46: {  	_ =	shalt  }
0x47: {  	_ =	shalt  }
0x48: {  	_ =	shalt  }
0x49: {  	_ =	shalt  }
0x4a: {  	_ =	shalt  }
0x4b: {  	_ =	shalt  }
0x4c: {  	_ =	shalt  }
0x4d: {  	_ =	shalt  }
0x4e: {  	_ =	shalt  }
0x4f: {  	_ =	shalt  }
0x50: {  	_ =	shalt  }
0x51: {  	_ =	shalt  }
0x52: {  	_ =	shalt  }
0x53: {  	_ =	shalt  }
0x54: {  	_ =	shalt  }
0x55: {  	_ =	shalt  }
0x56: {  	_ =	shalt  }
0x57: {  	_ =	shalt  }
0x58: {  	_ =	shalt  }
0x59: {  	_ =	shalt  }
0x5a: {  	_ =	shalt  }
0x5b: {  	_ =	shalt  }
0x5c: {  	_ =	shalt  }
0x5d: {  	_ =	shalt  }
0x5e: {  	_ =	shalt  }
0x5f: {  	_ =	shalt  }
0x60: {  	_ =	shalt  }
0x61: {  	_ =	shalt  }
0x62: {  	_ =	shalt  }
0x63: {  	_ =	shalt  }
0x64: {  	_ =	shalt  }
0x65: {  	_ =	shalt  }
0x66: {  	_ =	shalt  }
0x67: {  	_ =	shalt  }
0x68: {  	_ =	shalt  }
0x69: {  	_ =	shalt  }
0x6a: {  	_ =	shalt  }
0x6b: {  	_ =	shalt  }
0x6c: {  	_ =	shalt  }
0x6d: {  	_ =	shalt  }
0x6e: {  	_ =	shalt  }
0x6f: {  	_ =	shalt  }
0x70: {  	_ =	shalt  }
0x71: {  	_ =	shalt  }
0x72: {  	_ =	shalt  }
0x73: {  	_ =	shalt  }
0x74: {  	_ =	shalt  }
0x75: {  	_ =	shalt  }
0x76: {  	_ =	shalt  }
0x77: {  	_ =	shalt  }
0x78: {  	_ =	shalt  }
0x79: {  	_ =	shalt  }
0x7a: {  	_ =	shalt  }
0x7b: {  	_ =	shalt  }
0x7c: {  	_ =	shalt  }
0x7d: {  	_ =	shalt  }
0x7e: {  	_ =	shalt  }
0x7f: {  	_ =	shalt  }
0x80: {  	_ =	shalt  }
0x81: {  	_ =	shalt  }
0x82: {  	_ =	shalt  }
0x83: {  	_ =	shalt  }
0x84: {  	_ =	shalt  }
0x85: {  	_ =	shalt  }
0x86: {  	_ =	shalt  }
0x87: {  	_ =	shalt  }
.Lfunc_end0:
.L_simem_size_0:
called_computation.1_lowered:
.L_overlay_start_0:
0x88: {  	s2 =	sld [smem:$0x3FD9]  }
0x89: {  	s3 =	sld [smem:$0x3FFE];
	_ =	sdelay $0x1  }
0x8a: {  	s1 =	srdreg.scid  }
0x8b: {  	s0 =	sand.u32 $0x1, s1  }
0x8c: {  	s16 =	sshll.u32 s0, $0xA;
	s2 =	sadd.s32 s3, s2  }
0x8d: {  	s2 =	sadd.s32 s2, s16  }
0x8e: {  	[smem:$0x3FC6] =	sst s2  }
0x8f: {  	_ = 	snop  }
0x90: {  	(tm) =	ssettm $0x1  }
0x91: {  	s17 =	sld [smem:$0x3FFB];
	_ =	sdelay $0x3  }
0x92: {  	_ =	strace s17  }
0x93: {  	s2 =	sld [smem:$0x3FFC];
	_ =	sdelay $0x3  }
0x94: {  	_ =	strace s2  }
0x95: {  	s2 =	sld [smem:$0x3FFD];
	_ =	sdelay $0x3  }
0x96: {  	_ =	strace s2  }
0x97: {  	_ =	strace $0x8FFFFFFF  }
0x98: {  	s18 =	sld [smem:$0x3FDB];
	_ =	sdelay $0x1  }
0x99: {  	s19 =	simm.s32 $_scs_section_size  }
0x9a: {  	s4 =	simm.s32 $_size__tile_overlayer_lowered;
	s5 =	simm.s32 $_tile_overlayer_lowered  }
0x9b: {  	s22 =	simm.s32 $0x1BFF;
	s21 =	sshll.u32 s5, $0x1;
	s2 =	sadd.s32 s19, s18  }
0x9c: {  	s6 =	simm.s32 $0x0;
	s20 =	sshll.u32 s4, $0x1;
	s4 =	sadd.s32 s21, s2  }
0x9d: {  	[timem:s6], [sflag:s22] =	dma.local [hbm:s4], s20  }
0x9e: {  	_ =	swait.ge [sflag:s22], s20  }
0x9f: {  	s3 =	ssub.s32 $0x0, s20;
	[sflag:s22] =	ssyncset.done $0x0  }
0xa0: {  	[sflag:s22] =	ssyncadd.s32 s3;
	_ =	sdelay $0x1  }
0xa1: {  	s23 =	simm.s32 $0x1B8B  }
0xa2: {  	_ =	swait.ge [sflag:s23], $0x1  }
0xa3: {  	[sflag:s23] =	ssyncset.done $0x0  }
0xa4: {  	s25 =	simm.s32 $0x1B8E;
	s24 =	sld [smem:$0x3FFE];
	[sflag:s23] =	ssyncadd.s32 $0xFFFFFFFF  }
0xa5: {  	s26 =	simm.s32 $execute0_lowered;
	[smem:$0x3FD2] =	sst s25  }
0xa6: {  	s4 =	sshll.u32 s26, $0x1;
	_ =	strace $0x80000049;
	[dreg:$0x1] =	wrdreg $0xFFFFFFFF  }
0xa7: {  	s28 =	simm.s32 $_size_execute0_lowered;
	s2 =	sadd.s32 s2, s4;
	[dreg:$0x0] =	wrdreg $0x0  }
0xa8: {  	s4 =	sshll.u32 s28, $0x1;
	[dreg:$0x2] =	wrdreg s2  }
0xa9: {  	[dreg:$0x3] =	wrdreg s4  }
0xaa: {  	[dreg:$0x4] =	wrdreg $0xC0  }
0xab: {  	_ =	task [dreg:s6], $0x5FFFF  }
0xac: {  	[dreg:$0x1] =	wrdreg $0xFFFFFFFF  }
0xad: {  	[dreg:$0x0] =	wrdreg $0x60  }
0xae: {  	[dreg:$0x2] =	wrdreg s24  }
0xaf: {  	[dreg:$0x3] =	wrdreg $0x9  }
0xb0: {  	_ =	task.clear_ibuf [dreg:s6], $0x4FFFF;
	_ =	strace $0x90000049  }
0xb1: {  	s29 =	simm.s32 $0x9;
	_ =	strace $0x8000004B  }
0xb2: {  	_ =	swait.ge [sflag:s29], $0x1  }
0xb3: {  	[sflag:s29] =	ssyncadd.s32 $0xFFFFFFFF  }
0xb4: {  	_ =	strace $0x9000004B  }
0xb5: {  	_ =	sfence  }
0xb6: {  	s30 =	sld [smem:$0x0];
	_ =	sdelay $0x2  }
0xb7: {  	s31 =	sshll.u32 s1, $0xD;
	s1 =	sshrl.u32 s1, $0x2  }
0xb8: {  	s3 =	sand.u32 $0x4000, s31;
	s1 =	sadd.s32 s1, s30  }
0xb9: {  	s0 =	sor.u32 s3, s0;
	s1 =	sshll.u32 s1, $0x11  }
0xba: {  	s0 =	sor.u32 s1, s0  }
0xbb: {  	s0 =	sadd.s32 $0x8F2B, s0  }
0xbc: {  	[sflag:s0] =	ssyncadd.remote.s32 $0x1  }
0xbd: {  	_ =	sfence.sel $0xFFFF  }
0xbe: {  	[dreg:$0x0] =	wrdreg $0xFFFFFFFF;
	(pc) =	sbr.abs _section_cstart, $3  }
0xbf: {  	[dreg:$0x1] =	wrdreg $0xFFFFFFFF  }
0xc0: {  	_ =	task.clear_ibuf [dreg:s6], $0x2FFFF;
	_ =	strace $0x9FFFFFFF  }
0xc1: {  	(tm) =	ssettm $0x7FFFFFFF  }
tec
execute0_lowered:
.L_overlay_start_1:
0x0: {  	(tag) =	ssettag $0x1  }
0x1: {  	s2 =	rddreg [dreg:$0x0]  }
0x2: {  	s0 =	rddreg [dreg:$0x1]  }
0x3: {  	s1 =	srdreg.scid;
	_ =	strace $0x8000004A;
	s4 =	simm.s32 $0x1  }
0x4: {  	s9 =	simm.s32 $0x3;
	s12 =	simm.s32 $0x0;
	s5 =	sshll.u32 s1, $0x4  }
.Ltmp0:
0x5: {  	s1 =	stileid.u32;
	s5 =	sand.u32 $0x10, s5;
	(pc) =	sbr.rel .LBB2_1-.Ltmp0, $4  }
0x6: {  	s10 =	simm.s32 $0x0;
	s3 =	sadd.s32 $0x20400, s2;
	s6 =	sor.u32 s1, s5  }
0x7: {  	[sflag:s4] =	ssyncpa.u1 $0x0;
	s5 =	simm.s32 $0x2;
	s6 =	sshll.u32 s6, $0x8  }
0x8: {  	s7 =	sadd.s32 $0x41400, s2;
	[sflag:s5] =	ssyncpa.u1 $0x0;
	s8 =	sadd.s32 $0x100, s6  }
0x9: {  	vm0 =	vmmov $0xff;
	vm1 =	vcmask $0x3F20;
	[sflag:s9] =	ssyncpa.u1 $0x0;
	s9 =	simm.s32 $0x100;
	s11 =	smov.u32 s6  }
.LBB2_9:
0xa: {  	p0 =	seq.s32 s10, $0x2  }
.Ltmp1:
0xb: {  	_ = 	snop;
	(pc) =	sbr.rel @p0 .LBB2_11-.Ltmp1, $1  }
0xc: {  	_ =	sdelay $0x3  }
.LBB2_10:
0xd: {  	s12 =	sadd.s32 $0x100, s11  }
0xe: {  	s13 =	smov.u32 s6;
	p0 =	slt.s32 s12, s8  }
0xf: {  	s13 =	smov.u32 @p0 s12  }
0x10: {  	s10 =	sadd.s32 $0x1, s10;
	s12 =	smov.u32 s11;
	s11 =	smov.u32 s13  }
.LBB2_1:
0x11: {  	p0 =	sne.s32 s10, $0x0  }
.Ltmp2:
0x12: {  	_ = 	snop;
	(pc) =	sbr.rel @!p0 .LBB2_2-.Ltmp2, $1  }
0x13: {  	_ =	sdelay $0x3  }
0x14: {  	s13 =	sand.u32 $0x1, s10  }
0x15: {  	p0 =	seq.s32 s13, $0x0  }
.Ltmp3:
0x16: {  	_ = 	snop;
	(pc) =	sbr.rel @p0 .LBB2_9-.Ltmp3, $1  }
0x17: {  	_ =	sdelay $0x3  }
0x18: {  	_ =	swait.ge [sflag:s5], $0x100  }
0x19: {  	[sflag:s5] =	ssyncset.done $0x0  }
0x1a: {  	s13 =	simm.s32 $0x0;
	[sflag:s5] =	ssyncadd.s32 $0xFFFFFF00  }
0x1b: {  	v0 =	vld.msk [tilespmem:s13+$0x100 ss:$0x1], $0xffff;
	_ =	sdelay $0x4  }
0x1c: {  	vm2 =	vgt.s32 v0, $0x0  }
0x1d: {  	v0 =	vnsel vm2, $0x0, v0  }
0x1e: {  	v0 =	vmin.u32 v0, $0x1FFF  }
0x1f: {  	v0 =	vshll.u32 v0, $0x4;
	_ =	sdelay $0x3  }
0x20: {  	s13 =	simm.s32 $0x8200  }
0x21: {  	[tilespmem:s13], [sflag:$0x1] =	stream.indirect_vreg.gather [hbm:s3], $0x80, v0, vm0, $0x38;
	[tilespmem:$0x10200] =	vst v63  }
0x22: {  	s14 =	simm.s32 $0x8600;
	s31 =	simm.s32 $0x10  }
0x23: {  	[tilespmem:s14], [sflag:$0x1] =	stream.indirect_vreg.gather [hbm:s3], $0x80, v0, vm1, $0x38;
	[tilespmem:$0x10200] =	vst v63  }
0x24: {  	s14 =	simm.s32 $0x80;
	v0 =	vld.msk [tilespmem:s31+$0x100 ss:$0x1], $0xffff  }
.LBB2_5:
0x25: {  	p0 =	sne.s32 s14, $0x3C0;
	_ =	sdelay $0x4  }
0x26: {  	vm2 =	vgt.s32 v0, $0x0  }
0x27: {  	v0 =	vnsel vm2, $0x0, v0  }
0x28: {  	v0 =	vmin.u32 v0, $0x1FFF  }
0x29: {  	v0 =	vshll.u32 v0, $0x4;
	_ =	sdelay $0x3  }
.Ltmp4:
0x2a: {  	s13 =	sadd.s32 $0x800, s13;
	(pc) =	sbr.rel @p0 .LBB2_5-.Ltmp4, $4  }
0x2b: {  	[tilespmem:s13], [sflag:$0x1] =	stream.indirect_vreg.gather [hbm:s3], $0x80, v0, vm0, $0x38;
	[tilespmem:$0x10200] =	vst v63  }
0x2c: {  	s15 =	sshra.s32 s14, $0x2;
	s16 =	sadd.s32 $0x400, s13  }
0x2d: {  	[tilespmem:s16], [sflag:$0x1] =	stream.indirect_vreg.gather [hbm:s3], $0x80, v0, vm1, $0x38;
	[tilespmem:$0x10200] =	vst v63  }
0x2e: {  	s14 =	sadd.s32 $0x40, s14;
	v0 =	vld.msk [tilespmem:s15+$0x100 ss:$0x1], $0xffff  }
0x2f: {  	_ =	sdelay $0x3  }
0x30: {  	vm2 =	vgt.s32 v0, $0x0  }
0x31: {  	v0 =	vnsel vm2, $0x0, v0  }
0x32: {  	v0 =	vmin.u32 v0, $0x1FFF  }
0x33: {  	v0 =	vshll.u32 v0, $0x4;
	_ =	sdelay $0x3  }
0x34: {  	s13 =	sadd.s32 $0x800, s13  }
0x35: {  	[tilespmem:s13], [sflag:$0x1] =	stream.indirect_vreg.gather [hbm:s3], $0x80, v0, vm0, $0x38;
	[tilespmem:$0x10200] =	vst v63  }
0x36: {  	s13 =	sadd.s32 $0x400, s13  }
0x37: {  	[tilespmem:s13], [sflag:$0x1] =	stream.indirect_vreg.gather [hbm:s3], $0x80, v0, vm1, $0x38;
	[tilespmem:$0x10200] =	vst v63  }
0x38: {  	s12 =	sshll.u32 s12, $0x4;
	s14 =	simm.s32 $0x80;
	_ =	swait.ge [sflag:s4], $0x8000  }
0x39: {  	s15 =	simm.s32 $0x8600;
	s12 =	sadd.s32 s12, s2;
	[sflag:s4] =	ssyncset.done $0x0  }
0x3a: {  	s16 =	sadd.s32 $0x0, s12;
	s13 =	simm.s32 $0x8200;
	[sflag:s4] =	ssyncadd.s32 $0xFFFF8000  }
.LBB2_7:
0x3b: {  	[hbm:s16] =	stream.linear.scatter [tilespmem:s13], [sflag:$0x3], $0x400, $0x38;
	[tilespmem:$0x10200] =	vst v63  }
0x3c: {  	s16 =	smov.u32 s14;
	s13 =	smov.u32 s15;
	p0 =	sne.s32 s14, $0xF80  }
.Ltmp5:
0x3d: {  	s14 =	sadd.s32 $0x80, s14;
	(pc) =	sbr.rel @p0 .LBB2_7-.Ltmp5, $2  }
0x3e: {  	_ =	sdelay $0x2  }
0x3f: {  	s15 =	sadd.s32 $0x400, s15;
	s16 =	sadd.s32 s16, s12  }
.Ltmp6:
0x40: {  	(pc) =	sbr.rel .LBB2_9-.Ltmp6, $2  }
0x41: {  	_ =	sdelay $0x2  }
0x42: {  	[hbm:s16] =	stream.linear.scatter [tilespmem:s13], [sflag:$0x3], $0x400, $0x38;
	[tilespmem:$0x10200] =	vst v63  }
.LBB2_2:
.Ltmp7:
0x43: {  	(pc) =	sbr.rel .LBB2_10-.Ltmp7, $4  }
0x44: {  	_ = 	snop  }
0x45: {  	s12 =	sshrl.u32 s11, $0x3  }
0x46: {  	s13 =	sand.u32 $0x7, s11;
	s12 =	sadd.s32 s7, s12  }
0x47: {  	[tilespmem:s9], [sflag:$0x2] =	stream.linear.gather [hbm4b:s12+s13], $0x100, $0x38;
	[tilespmem:$0x10200] =	vst v63  }
.LBB2_11:
0x48: {  	s2 =	simm.s32 $0x3  }
0x49: {  	_ =	swait.ge [sflag:s2], $0x8000  }
0x4a: {  	[sflag:s2] =	ssyncset.done $0x0  }
0x4b: {  	[sflag:s2] =	ssyncadd.s32 $0xFFFF8000  }
0x4c: {  	_ =	sfence.sel $0x180000  }
0x4d: {  	s3 =	simm.s32 $0x2;
	[bflag:$0x0] =	sbarrier.arrive $0xFFFF  }
0x4e: {  	[sflag:s3] =	ssyncpa.u1 $0x1  }
0x4f: {  	s31 =	simm.s32 $0x1;
	[sflag:s2] =	ssyncpa.u1 $0x1  }
0x50: {  	[sflag:s31] =	ssyncpa.u1 $0x1  }
0x51: {  	p0 =	sne.s32 s1, $0x0;
	_ =	strace $0x9000004A  }
0x52: {  	s0 =	sadd.s32 @!p0 $0x100000, s0;
	[bflag:$0x2] =	sbarrier.arrive $0xFFFF  }
0x53: {  	[sflag:s0] =	ssyncadd.tile.s32 @!p0 $0x1;
	_ =	shalt  }
.Lfunc_end2:
_tile_overlayer_lowered:
.L_overlay_start_2:
0x54: {  	(tag) =	ssettag $0x2  }
0x55: {  	s0 =	rddreg [dreg:$0x0];
	s2 =	stileid.u32  }
0x56: {  	s1 =	rddreg [dreg:$0x1];
	p0 =	sne.s32 s2, $0x0  }
0x57: {  	s3 =	rddreg [dreg:$0x2];
	[bflag:$0x3] =	sbarrier.arrive $0xFFFF;
	s2 =	simm.s32 @!p0 $0x1C01  }
0x58: {  	[timem:s3], [sflag:s2] =	dma.local @!p0 [hbm:s0], s1  }
0x59: {  	s0 =	simm.s32 @!p0 $0x1  }
0x5a: {  	_ =	swait.ge @!p0 [sflag:s0], s1  }
0x5b: {  	s1 =	ssub.s32 @!p0 $0x0, s1;
	[sflag:s0] =	ssyncset.done @!p0 $0x0  }
0x5c: {  	[sflag:s0] =	ssyncadd.s32 @!p0 s1  }
0x5d: {  	[bflag:$0x3] =	sbarrier.arrive $0xFFFF  }
0x5e: {  	_ =	shalt  }

// kernel: gather_offload_async_start
scs
__scs_entry_jumppad:
0x0: {  	(pc) =	sbr.rel $0x88, $3  }
0x1: {  	(tag) =	ssettag $0x0;
	lr =	simm.s32 $0x1  }
0x2: {  	[smem:$0x3F9F] =	sst lr;
	_ =	strace $0xD0000000  }
0x3: {  	_ = 	snop  }
0x4: {  	_ = 	snop  }
0x5: {  	_ = 	snop  }
0x6: {  	_ = 	snop  }
0x7: {  	_ = 	snop  }
__scs_overlays_trampoline_lowered:
0x8: {  	[smem:$0x3FAE] =	sst s0  }
0x9: {  	[smem:$0x3FAF] =	sst s1  }
0xa: {  	[smem:$0x3FB0] =	sst s2  }
0xb: {  	[smem:$0x3FB1] =	sst s3  }
0xc: {  	[smem:$0x3FB2] =	sst s4  }
0xd: {  	[smem:$0x3FB3] =	sst s5  }
0xe: {  	[smem:$0x3FB4] =	sst s6  }
0xf: {  	[smem:$0x3FB5] =	sst s7  }
0x10: {  	[smem:$0x3FB6] =	sst s8  }
0x11: {  	[smem:$0x3FB7] =	sst s9;
	s0 =	simm.s32 @!p0 $0x0  }
0x12: {  	s1 =	sld [smem:$0x3F9D];
	s0 =	simm.s32 @p0 $0x1  }
0x13: {  	[smem:$0x3FB8] =	sst s0;
	s0 =	simm.s32 @!p1 $0x0  }
0x14: {  	s2 =	sld [smem:$0x3F9C];
	s0 =	simm.s32 @p1 $0x1  }
0x15: {  	[smem:$0x3FB9] =	sst s0;
	s0 =	simm.s32 @!p2 $0x0  }
0x16: {  	s3 =	sld [smem:$0x3FDB];
	s0 =	simm.s32 @p2 $0x1  }
0x17: {  	s4 =	simm.s32 $0x1BF5;
	[smem:$0x3FBB] =	sst s0  }
0x18: {  	s0 =	sld [smem:$0x3F9E];
	_ =	swait.ge [sflag:s4], $0x0  }
0x19: {  	s7 =	sld [smem:$0x3F9F]  }
0x1a: {  	s8 =	sadd.s32 $0xFFFFE003, lr  }
0x1b: {  	s9 =	sadd.s32 $0xFFFFFEF7, lr;
	s5 =	simm.s32 $0xFFFFFFFF;
	p2 =	slt.u32 s8, $0xFFFFF086  }
0x1c: {  	p1 =	slt.u32 s9, $0xF7A;
	s5 =	simm.s32 @!p2 $0x0  }
0x1d: {  	s5 =	simm.s32 @p1 $0x1;
	p0 =	seq.s32 s7, s2  }
0x1e: {  	s7 =	smul.u32 @!p0 $0xF7A, s2;
	p2 =	seq.s32 @!p0 s5, $0x0  }
0x1f: {  	s9 =	smul.u32 $0xF7A, s1;
	s8 =	simm.s32 @!p0 $0x1BF5;
	p2 =	por !p2, p0  }
0x20: {  	[sflag:s8] =	ssyncset.s32 @!p0 $0xFFFFF086;
	s6 =	sadd.s32 @!p0 s3, s7;
	s7 =	simm.s32 @!p0 $0x108  }
0x21: {  	s3 =	sadd.s32 s3, s9;
	s6 =	sadd.s32 @!p0 $0x88, s6;
	s7 =	simm.s32 @p2 $0x1082  }
0x22: {  	[simem:s7], [sflag:s8] =	dma.local @!p0 [hbm:s6], $0xF7A  }
0x23: {  	s9 =	sor.u32 $0xD0000000, s2;
	s6 =	simm.s32 $0x108;
	_ =	swait.ge @!p0 [sflag:s8], $0x0  }
0x24: {  	s3 =	sadd.s32 $0x88, s3;
	s6 =	simm.s32 @!p1 $0x1082;
	[sflag:s4] =	ssyncset.s32 $0xFFFFF086  }
0x25: {  	[simem:s6], [sflag:s4] =	dma.local [hbm:s3], $0xF7A  }
0x26: {  	[smem:$0x3F9F] =	sst s1;
	(tag) =	ssettag s2;
	_ =	strace s9  }
0x27: {  	s1 =	sld [smem:$0x3FAF]  }
0x28: {  	s2 =	sld [smem:$0x3FB0]  }
0x29: {  	s4 =	sld [smem:$0x3FB2]  }
0x2a: {  	p0 =	seq.s32 s5, $0x0;
	s5 =	sld [smem:$0x3FB3]  }
0x2b: {  	s6 =	sld [smem:$0x3FB4]  }
0x2c: {  	s7 =	sld [smem:$0x3FB5]  }
0x2d: {  	s3 =	simm.s32 $0x108;
	s8 =	sld [smem:$0x3FB6]  }
0x2e: {  	s3 =	simm.s32 @!p0 $0x1082;
	s9 =	sld [smem:$0x3FB7]  }
0x2f: {  	lr =	sadd.s32 s0, s3;
	s0 =	sld [smem:$0x3FAE]  }
0x30: {  	s3 =	sld [smem:$0x3FB1]  }
0x31: {  	[smem:$0x3FBA] =	sst s10  }
0x32: {  	s10 =	sld [smem:$0x3FB8];
	_ =	sdelay $0x3  }
0x33: {  	p0 =	seq.s32 s10, $0x1;
	s10 =	sld [smem:$0x3FBA];
	_ =	sdelay $0x3  }
0x34: {  	[smem:$0x3FBA] =	sst s10  }
0x35: {  	s10 =	sld [smem:$0x3FB9];
	_ =	sdelay $0x3  }
0x36: {  	p1 =	seq.s32 s10, $0x1;
	s10 =	sld [smem:$0x3FBA];
	_ =	sdelay $0x3  }
0x37: {  	[smem:$0x3FBA] =	sst s10  }
0x38: {  	s10 =	sld [smem:$0x3FBB]  }
0x39: {  	_ = 	snop;
	(pc) =	sbr.ind lr, $3  }
0x3a: {  	_ = 	snop  }
0x3b: {  	_ = 	snop  }
0x3c: {  	p2 =	seq.s32 s10, $0x1;
	s10 =	sld [smem:$0x3FBA]  }
0x3d: {  	_ =	shalt  }
0x3e: {  	_ =	shalt  }
0x3f: {  	_ =	shalt  }
0x40: {  	_ =	shalt  }
0x41: {  	_ =	shalt  }
0x42: {  	_ =	shalt  }
0x43: {  	_ =	shalt  }
0x44: {  	_ =	shalt  }
0x45: {  	_ =	shalt  }
0x46: {  	_ =	shalt  }
0x47: {  	_ =	shalt  }
0x48: {  	_ =	shalt  }
0x49: {  	_ =	shalt  }
0x4a: {  	_ =	shalt  }
0x4b: {  	_ =	shalt  }
0x4c: {  	_ =	shalt  }
0x4d: {  	_ =	shalt  }
0x4e: {  	_ =	shalt  }
0x4f: {  	_ =	shalt  }
0x50: {  	_ =	shalt  }
0x51: {  	_ =	shalt  }
0x52: {  	_ =	shalt  }
0x53: {  	_ =	shalt  }
0x54: {  	_ =	shalt  }
0x55: {  	_ =	shalt  }
0x56: {  	_ =	shalt  }
0x57: {  	_ =	shalt  }
0x58: {  	_ =	shalt  }
0x59: {  	_ =	shalt  }
0x5a: {  	_ =	shalt  }
0x5b: {  	_ =	shalt  }
0x5c: {  	_ =	shalt  }
0x5d: {  	_ =	shalt  }
0x5e: {  	_ =	shalt  }
0x5f: {  	_ =	shalt  }
0x60: {  	_ =	shalt  }
0x61: {  	_ =	shalt  }
0x62: {  	_ =	shalt  }
0x63: {  	_ =	shalt  }
0x64: {  	_ =	shalt  }
0x65: {  	_ =	shalt  }
0x66: {  	_ =	shalt  }
0x67: {  	_ =	shalt  }
0x68: {  	_ =	shalt  }
0x69: {  	_ =	shalt  }
0x6a: {  	_ =	shalt  }
0x6b: {  	_ =	shalt  }
0x6c: {  	_ =	shalt  }
0x6d: {  	_ =	shalt  }
0x6e: {  	_ =	shalt  }
0x6f: {  	_ =	shalt  }
0x70: {  	_ =	shalt  }
0x71: {  	_ =	shalt  }
0x72: {  	_ =	shalt  }
0x73: {  	_ =	shalt  }
0x74: {  	_ =	shalt  }
0x75: {  	_ =	shalt  }
0x76: {  	_ =	shalt  }
0x77: {  	_ =	shalt  }
0x78: {  	_ =	shalt  }
0x79: {  	_ =	shalt  }
0x7a: {  	_ =	shalt  }
0x7b: {  	_ =	shalt  }
0x7c: {  	_ =	shalt  }
0x7d: {  	_ =	shalt  }
0x7e: {  	_ =	shalt  }
0x7f: {  	_ =	shalt  }
0x80: {  	_ =	shalt  }
0x81: {  	_ =	shalt  }
0x82: {  	_ =	shalt  }
0x83: {  	_ =	shalt  }
0x84: {  	_ =	shalt  }
0x85: {  	_ =	shalt  }
0x86: {  	_ =	shalt  }
0x87: {  	_ =	shalt  }
.Lfunc_end0:
.L_simem_size_0:
called_computation_lowered:
.L_overlay_start_0:
0x88: {  	s2 =	sld [smem:$0x3FD9]  }
0x89: {  	s3 =	sld [smem:$0x3FFE];
	_ =	sdelay $0x1  }
0x8a: {  	s1 =	srdreg.scid  }
0x8b: {  	s0 =	sand.u32 $0x1, s1  }
0x8c: {  	s16 =	sshll.u32 s0, $0xA;
	s2 =	sadd.s32 s3, s2  }
0x8d: {  	s2 =	sadd.s32 s2, s16  }
0x8e: {  	[smem:$0x3FC6] =	sst s2  }
0x8f: {  	_ = 	snop  }
0x90: {  	(tm) =	ssettm $0x1  }
0x91: {  	s17 =	sld [smem:$0x3FFB];
	_ =	sdelay $0x3  }
0x92: {  	_ =	strace s17  }
0x93: {  	s2 =	sld [smem:$0x3FFC];
	_ =	sdelay $0x3  }
0x94: {  	_ =	strace s2  }
0x95: {  	s2 =	sld [smem:$0x3FFD];
	_ =	sdelay $0x3  }
0x96: {  	_ =	strace s2  }
0x97: {  	_ =	strace $0x8FFFFFFF  }
0x98: {  	s18 =	sld [smem:$0x3FDB];
	_ =	sdelay $0x1  }
0x99: {  	s19 =	simm.s32 $_scs_section_size  }
0x9a: {  	s4 =	simm.s32 $_size__tile_overlayer_lowered;
	s5 =	simm.s32 $_tile_overlayer_lowered  }
0x9b: {  	s22 =	simm.s32 $0x1BFF;
	s21 =	sshll.u32 s5, $0x1;
	s2 =	sadd.s32 s19, s18  }
0x9c: {  	s6 =	simm.s32 $0x0;
	s20 =	sshll.u32 s4, $0x1;
	s4 =	sadd.s32 s21, s2  }
0x9d: {  	[timem:s6], [sflag:s22] =	dma.local [hbm:s4], s20  }
0x9e: {  	_ =	swait.ge [sflag:s22], s20  }
0x9f: {  	s3 =	ssub.s32 $0x0, s20;
	[sflag:s22] =	ssyncset.done $0x0  }
0xa0: {  	[sflag:s22] =	ssyncadd.s32 s3;
	_ =	sdelay $0x1  }
0xa1: {  	s23 =	simm.s32 $0x1B8B  }
0xa2: {  	_ =	swait.ge [sflag:s23], $0x1  }
0xa3: {  	[sflag:s23] =	ssyncset.done $0x0  }
0xa4: {  	s25 =	simm.s32 $0x1B8E;
	s24 =	sld [smem:$0x3FFE];
	[sflag:s23] =	ssyncadd.s32 $0xFFFFFFFF  }
0xa5: {  	s26 =	simm.s32 $execute0_lowered;
	[smem:$0x3FD2] =	sst s25  }
0xa6: {  	s4 =	sshll.u32 s26, $0x1;
	_ =	strace $0x80000046;
	[dreg:$0x1] =	wrdreg $0xFFFFFFFF  }
0xa7: {  	s28 =	simm.s32 $_size_execute0_lowered;
	s2 =	sadd.s32 s2, s4;
	[dreg:$0x0] =	wrdreg $0x0  }
0xa8: {  	s4 =	sshll.u32 s28, $0x1;
	[dreg:$0x2] =	wrdreg s2  }
0xa9: {  	[dreg:$0x3] =	wrdreg s4  }
0xaa: {  	[dreg:$0x4] =	wrdreg $0xC0  }
0xab: {  	_ =	task [dreg:s6], $0x5FFFF  }
0xac: {  	[dreg:$0x1] =	wrdreg $0xFFFFFFFF  }
0xad: {  	[dreg:$0x0] =	wrdreg $0x60  }
0xae: {  	[dreg:$0x2] =	wrdreg s24  }
0xaf: {  	[dreg:$0x3] =	wrdreg $0x9  }
0xb0: {  	_ =	task.clear_ibuf [dreg:s6], $0x4FFFF;
	_ =	strace $0x90000046  }
0xb1: {  	s29 =	simm.s32 $0x9;
	_ =	strace $0x80000048  }
0xb2: {  	_ =	swait.ge [sflag:s29], $0x1  }
0xb3: {  	[sflag:s29] =	ssyncadd.s32 $0xFFFFFFFF  }
0xb4: {  	_ =	strace $0x90000048  }
0xb5: {  	_ =	sfence  }
0xb6: {  	s30 =	sld [smem:$0x0];
	_ =	sdelay $0x2  }
0xb7: {  	s31 =	sshll.u32 s1, $0xD;
	s1 =	sshrl.u32 s1, $0x2  }
0xb8: {  	s3 =	sand.u32 $0x4000, s31;
	s1 =	sadd.s32 s1, s30  }
0xb9: {  	s0 =	sor.u32 s3, s0;
	s1 =	sshll.u32 s1, $0x11  }
0xba: {  	s0 =	sor.u32 s1, s0  }
0xbb: {  	s0 =	sadd.s32 $0x8F2B, s0  }
0xbc: {  	[sflag:s0] =	ssyncadd.remote.s32 $0x1  }
0xbd: {  	_ =	sfence.sel $0xFFFF  }
0xbe: {  	[dreg:$0x0] =	wrdreg $0xFFFFFFFF;
	(pc) =	sbr.abs _section_cstart, $3  }
0xbf: {  	[dreg:$0x1] =	wrdreg $0xFFFFFFFF  }
0xc0: {  	_ =	task.clear_ibuf [dreg:s6], $0x2FFFF;
	_ =	strace $0x9FFFFFFF  }
0xc1: {  	(tm) =	ssettm $0x7FFFFFFF  }
tec
execute0_lowered:
.L_overlay_start_1:
0x0: {  	(tag) =	ssettag $0x1  }
0x1: {  	s2 =	rddreg [dreg:$0x0]  }
0x2: {  	s0 =	rddreg [dreg:$0x1]  }
0x3: {  	s1 =	srdreg.scid;
	_ =	strace $0x80000047;
	s4 =	simm.s32 $0x1  }
0x4: {  	s9 =	simm.s32 $0x3;
	s12 =	simm.s32 $0x0;
	s5 =	sshll.u32 s1, $0x4  }
.Ltmp0:
0x5: {  	s1 =	stileid.u32;
	s5 =	sand.u32 $0x10, s5;
	(pc) =	sbr.rel .LBB2_1-.Ltmp0, $4  }
0x6: {  	s10 =	simm.s32 $0x0;
	s3 =	sadd.s32 $0x20000, s2;
	s6 =	sor.u32 s1, s5  }
0x7: {  	[sflag:s4] =	ssyncpa.u1 $0x0;
	s5 =	simm.s32 $0x2;
	s6 =	sshll.u32 s6, $0x8  }
0x8: {  	s7 =	sadd.s32 $0x41400, s2;
	[sflag:s5] =	ssyncpa.u1 $0x0;
	s8 =	sadd.s32 $0x100, s6  }
0x9: {  	vm0 =	vmmov $0xff;
	vm1 =	vcmask $0x3F20;
	[sflag:s9] =	ssyncpa.u1 $0x0;
	s9 =	simm.s32 $0x100;
	s11 =	smov.u32 s6  }
.LBB2_9:
0xa: {  	p0 =	seq.s32 s10, $0x2  }
.Ltmp1:
0xb: {  	_ = 	snop;
	(pc) =	sbr.rel @p0 .LBB2_11-.Ltmp1, $1  }
0xc: {  	_ =	sdelay $0x3  }
.LBB2_10:
0xd: {  	s12 =	sadd.s32 $0x100, s11  }
0xe: {  	s13 =	smov.u32 s6;
	p0 =	slt.s32 s12, s8  }
0xf: {  	s13 =	smov.u32 @p0 s12  }
0x10: {  	s10 =	sadd.s32 $0x1, s10;
	s12 =	smov.u32 s11;
	s11 =	smov.u32 s13  }
.LBB2_1:
0x11: {  	p0 =	sne.s32 s10, $0x0  }
.Ltmp2:
0x12: {  	_ = 	snop;
	(pc) =	sbr.rel @!p0 .LBB2_2-.Ltmp2, $1  }
0x13: {  	_ =	sdelay $0x3  }
0x14: {  	s13 =	sand.u32 $0x1, s10  }
0x15: {  	p0 =	seq.s32 s13, $0x0  }
.Ltmp3:
0x16: {  	_ = 	snop;
	(pc) =	sbr.rel @p0 .LBB2_9-.Ltmp3, $1  }
0x17: {  	_ =	sdelay $0x3  }
0x18: {  	_ =	swait.ge [sflag:s5], $0x100  }
0x19: {  	[sflag:s5] =	ssyncset.done $0x0  }
0x1a: {  	s13 =	simm.s32 $0x0;
	[sflag:s5] =	ssyncadd.s32 $0xFFFFFF00  }
0x1b: {  	v0 =	vld.msk [tilespmem:s13+$0x100 ss:$0x1], $0xffff;
	_ =	sdelay $0x4  }
0x1c: {  	vm2 =	vgt.s32 v0, $0x0  }
0x1d: {  	v0 =	vnsel vm2, $0x0, v0  }
0x1e: {  	v0 =	vmin.u32 v0, $0x1FFF  }
0x1f: {  	v0 =	vshll.u32 v0, $0x4;
	_ =	sdelay $0x3  }
0x20: {  	s13 =	simm.s32 $0x8200  }
0x21: {  	[tilespmem:s13], [sflag:$0x1] =	stream.indirect_vreg.gather [hbm:s2], $0x80, v0, vm0, $0x38;
	[tilespmem:$0x10200] =	vst v63  }
0x22: {  	s14 =	simm.s32 $0x8600;
	s31 =	simm.s32 $0x10  }
0x23: {  	[tilespmem:s14], [sflag:$0x1] =	stream.indirect_vreg.gather [hbm:s2], $0x80, v0, vm1, $0x38;
	[tilespmem:$0x10200] =	vst v63  }
0x24: {  	s14 =	simm.s32 $0x80;
	v0 =	vld.msk [tilespmem:s31+$0x100 ss:$0x1], $0xffff  }
.LBB2_5:
0x25: {  	p0 =	sne.s32 s14, $0x3C0;
	_ =	sdelay $0x4  }
0x26: {  	vm2 =	vgt.s32 v0, $0x0  }
0x27: {  	v0 =	vnsel vm2, $0x0, v0  }
0x28: {  	v0 =	vmin.u32 v0, $0x1FFF  }
0x29: {  	v0 =	vshll.u32 v0, $0x4;
	_ =	sdelay $0x3  }
.Ltmp4:
0x2a: {  	s13 =	sadd.s32 $0x800, s13;
	(pc) =	sbr.rel @p0 .LBB2_5-.Ltmp4, $4  }
0x2b: {  	[tilespmem:s13], [sflag:$0x1] =	stream.indirect_vreg.gather [hbm:s2], $0x80, v0, vm0, $0x38;
	[tilespmem:$0x10200] =	vst v63  }
0x2c: {  	s15 =	sshra.s32 s14, $0x2;
	s16 =	sadd.s32 $0x400, s13  }
0x2d: {  	[tilespmem:s16], [sflag:$0x1] =	stream.indirect_vreg.gather [hbm:s2], $0x80, v0, vm1, $0x38;
	[tilespmem:$0x10200] =	vst v63  }
0x2e: {  	s14 =	sadd.s32 $0x40, s14;
	v0 =	vld.msk [tilespmem:s15+$0x100 ss:$0x1], $0xffff  }
0x2f: {  	_ =	sdelay $0x3  }
0x30: {  	vm2 =	vgt.s32 v0, $0x0  }
0x31: {  	v0 =	vnsel vm2, $0x0, v0  }
0x32: {  	v0 =	vmin.u32 v0, $0x1FFF  }
0x33: {  	v0 =	vshll.u32 v0, $0x4;
	_ =	sdelay $0x3  }
0x34: {  	s13 =	sadd.s32 $0x800, s13  }
0x35: {  	[tilespmem:s13], [sflag:$0x1] =	stream.indirect_vreg.gather [hbm:s2], $0x80, v0, vm0, $0x38;
	[tilespmem:$0x10200] =	vst v63  }
0x36: {  	s13 =	sadd.s32 $0x400, s13  }
0x37: {  	[tilespmem:s13], [sflag:$0x1] =	stream.indirect_vreg.gather [hbm:s2], $0x80, v0, vm1, $0x38;
	[tilespmem:$0x10200] =	vst v63  }
0x38: {  	s12 =	sshll.u32 s12, $0x4;
	s14 =	simm.s32 $0x80;
	_ =	swait.ge [sflag:s4], $0x8000  }
0x39: {  	s15 =	simm.s32 $0x8600;
	s12 =	sadd.s32 s12, s7;
	[sflag:s4] =	ssyncset.done $0x0  }
0x3a: {  	s16 =	sadd.s32 $0x0, s12;
	s13 =	simm.s32 $0x8200;
	[sflag:s4] =	ssyncadd.s32 $0xFFFF8000  }
.LBB2_7:
0x3b: {  	[hbm:s16] =	stream.linear.scatter [tilespmem:s13], [sflag:$0x3], $0x400, $0x38;
	[tilespmem:$0x10200] =	vst v63  }
0x3c: {  	s16 =	smov.u32 s14;
	s13 =	smov.u32 s15;
	p0 =	sne.s32 s14, $0xF80  }
.Ltmp5:
0x3d: {  	s14 =	sadd.s32 $0x80, s14;
	(pc) =	sbr.rel @p0 .LBB2_7-.Ltmp5, $2  }
0x3e: {  	_ =	sdelay $0x2  }
0x3f: {  	s15 =	sadd.s32 $0x400, s15;
	s16 =	sadd.s32 s16, s12  }
.Ltmp6:
0x40: {  	(pc) =	sbr.rel .LBB2_9-.Ltmp6, $2  }
0x41: {  	_ =	sdelay $0x2  }
0x42: {  	[hbm:s16] =	stream.linear.scatter [tilespmem:s13], [sflag:$0x3], $0x400, $0x38;
	[tilespmem:$0x10200] =	vst v63  }
.LBB2_2:
.Ltmp7:
0x43: {  	(pc) =	sbr.rel .LBB2_10-.Ltmp7, $4  }
0x44: {  	_ = 	snop  }
0x45: {  	s12 =	sshrl.u32 s11, $0x3  }
0x46: {  	s13 =	sand.u32 $0x7, s11;
	s12 =	sadd.s32 s3, s12  }
0x47: {  	[tilespmem:s9], [sflag:$0x2] =	stream.linear.gather [hbm4b:s12+s13], $0x100, $0x38;
	[tilespmem:$0x10200] =	vst v63  }
.LBB2_11:
0x48: {  	s2 =	simm.s32 $0x3  }
0x49: {  	_ =	swait.ge [sflag:s2], $0x8000  }
0x4a: {  	[sflag:s2] =	ssyncset.done $0x0  }
0x4b: {  	[sflag:s2] =	ssyncadd.s32 $0xFFFF8000  }
0x4c: {  	_ =	sfence.sel $0x180000  }
0x4d: {  	s3 =	simm.s32 $0x2;
	[bflag:$0x0] =	sbarrier.arrive $0xFFFF  }
0x4e: {  	[sflag:s3] =	ssyncpa.u1 $0x1  }
0x4f: {  	s31 =	simm.s32 $0x1;
	[sflag:s2] =	ssyncpa.u1 $0x1  }
0x50: {  	[sflag:s31] =	ssyncpa.u1 $0x1  }
0x51: {  	p0 =	sne.s32 s1, $0x0;
	_ =	strace $0x90000047  }
0x52: {  	s0 =	sadd.s32 @!p0 $0x100000, s0;
	[bflag:$0x2] =	sbarrier.arrive $0xFFFF  }
0x53: {  	[sflag:s0] =	ssyncadd.tile.s32 @!p0 $0x1;
	_ =	shalt  }
.Lfunc_end2:
_tile_overlayer_lowered:
.L_overlay_start_2:
0x54: {  	(tag) =	ssettag $0x2  }
0x55: {  	s0 =	rddreg [dreg:$0x0];
	s2 =	stileid.u32  }
0x56: {  	s1 =	rddreg [dreg:$0x1];
	p0 =	sne.s32 s2, $0x0  }
0x57: {  	s3 =	rddreg [dreg:$0x2];
	[bflag:$0x3] =	sbarrier.arrive $0xFFFF;
	s2 =	simm.s32 @!p0 $0x1C01  }
0x58: {  	[timem:s3], [sflag:s2] =	dma.local @!p0 [hbm:s0], s1  }
0x59: {  	s0 =	simm.s32 @!p0 $0x1  }
0x5a: {  	_ =	swait.ge @!p0 [sflag:s0], s1  }
0x5b: {  	s1 =	ssub.s32 @!p0 $0x0, s1;
	[sflag:s0] =	ssyncset.done @!p0 $0x0  }
0x5c: {  	[sflag:s0] =	ssyncadd.s32 @!p0 s1  }
0x5d: {  	[bflag:$0x3] =	sbarrier.arrive $0xFFFF  }
0x5e: {  	_ =	shalt  }

</sc_bundles>
